<compile_context>
chip_gen: v7x
topology: tpu7x:2x2x1
jax: 0.10.2.dev20260603
libtpu: 0.0.44.dev20260713+nightly
codegen_flags: <defaults>
</compile_context>

<pallas_src>
import functools

import jax
import jax.numpy as jnp
from jax import lax
from jax.experimental import pallas as pl
from jax.experimental.pallas import tpu as pltpu
from jax.experimental.pallas import tpu_sc as plsc

_T = 204800
_B = 4096
_D = 64
_C = 4
_NW = 32
_PA = _B // _NW
_NB = _T - _B
_PB = _NB // _NW
_CHUNK = 128
_NCHUNK = _PB // _CHUNK
_ROW_UNROLL = 8
_CNT = float(_T - (_B - 1))


def _sc_pooled(text, table):
    mesh = plsc.VectorSubcoreMesh(core_axis_name="c", subcore_axis_name="s")

    @functools.partial(
        pl.kernel,
        mesh=mesh,
        compiler_params=pltpu.CompilerParams(use_tc_tiling_on_sc=False),
        out_type=[
            jax.ShapeDtypeStruct((_B, _D), jnp.float32),
            jax.ShapeDtypeStruct((_NW, _D), jnp.float32),
        ],
        scratch_types=[
            pltpu.VMEM((_PA,), jnp.int32),
            pltpu.VMEM((_PA, _D), jnp.float32),
            pltpu.VMEM((_PB,), jnp.int32),
            pltpu.VMEM((_CHUNK, _D), jnp.float32),
            pltpu.VMEM((_D,), jnp.float32),
            pltpu.SemaphoreType.DMA,
        ],
    )
    def body(text_hbm, table_hbm, pooled_hbm, partials_hbm,
             idxa_v, rowsa_v, idxb_v, rowsb_v, acc_v, sem):
        wid = lax.axis_index("c") * 16 + lax.axis_index("s")

        abase = wid * _PA
        pltpu.sync_copy(text_hbm.at[pl.ds(abase, _PA)], idxa_v)
        pltpu.async_copy(table_hbm.at[idxa_v], rowsa_v, sem).wait()
        pltpu.sync_copy(rowsa_v, pooled_hbm.at[pl.ds(abase, _PA)])

        bbase = _B + wid * _PB
        pltpu.sync_copy(text_hbm.at[pl.ds(bbase, _PB)], idxb_v)

        zero = jnp.zeros((16,), jnp.float32)
        acc0 = (zero, zero, zero, zero)

        def chunk_body(c, acc):
            pltpu.async_copy(
                table_hbm.at[idxb_v.at[pl.ds(c * _CHUNK, _CHUNK)]],
                rowsb_v, sem).wait()

            def row_body(i, a):
                a = list(a)
                for u in range(_ROW_UNROLL):
                    r = i * _ROW_UNROLL + u
                    for d in range(4):
                        a[d] = a[d] + rowsb_v[r, pl.ds(d * 16, 16)]
                return tuple(a)

            return lax.fori_loop(0, _CHUNK // _ROW_UNROLL, row_body, acc)

        acc = lax.fori_loop(0, _NCHUNK, chunk_body, acc0)
        for d in range(4):
            acc_v[pl.ds(d * 16, 16)] = acc[d]
        pltpu.sync_copy(acc_v, partials_hbm.at[wid])

    return body(text, table)


def _tc_head(pooled, partials, wt, b2):
    def body(pooled_ref, partials_ref, wt_ref, b_ref, out_ref):
        pooled_v = pooled_ref[...]
        big = pooled_v[_B - 1:_B, :] + jnp.sum(partials_ref[...], axis=0,
                                               keepdims=True)
        big = big / jnp.float32(_CNT)
        rowid = lax.broadcasted_iota(jnp.int32, (_B, 1), 0)
        emb = jnp.where(rowid == _B - 1, big, pooled_v)
        out_ref[...] = (
            jnp.dot(emb, wt_ref[...], preferred_element_type=jnp.float32)
            + b_ref[...]
        )

    return pl.pallas_call(
        body,
        out_shape=jax.ShapeDtypeStruct((_B, _C), jnp.float32),
    )(pooled, partials, wt, b2)


@jax.jit
def kernel(text, offsets, table, W, b):
    del offsets
    pooled, partials = _sc_pooled(text, table)
    return _tc_head(pooled, partials, W.T, b.reshape(1, _C))

# --- scband reference (transcript-rebuilt; emitter-appended) ---
"""Pipeline reference for scband-text-classification-model-69741678952998 (READ-ONLY COPY).

The authoritative reference and input builder live on the scoring server;
editing this copy changes nothing except your own understanding.
"""

import jax, jax.numpy as jnp
import numpy as np

VOCAB = 1000000
EMBED_DIM = 64
NUM_CLASS = 4
TOTAL_TOK = 204800
BATCH = 4096

def setup_inputs(seed: int = 0) -> dict:
    key = jax.random.key(seed)
    k1, k2, k3, k4 = jax.random.split(key, 4)
    text = jax.random.randint(k1, (TOTAL_TOK,), 0, VOCAB, dtype=jnp.int64 if jax.config.jax_enable_x64 else jnp.int32).astype(jnp.int32)
    offsets = jnp.arange(BATCH, dtype=jnp.int32)
    table = jax.random.normal(k2, (VOCAB, EMBED_DIM), dtype=jnp.float32)
    W = jax.random.normal(k3, (NUM_CLASS, EMBED_DIM), dtype=jnp.float32) * 0.05
    b = jax.random.normal(k4, (NUM_CLASS,), dtype=jnp.float32) * 0.01
    return {"text": text, "offsets": offsets, "table": table, "W": W, "b": b}

def reference(text, offsets, table, W, b):
    T = text.shape[0]
    B = offsets.shape[0]
    # segment id for each token: which bag it belongs to (offsets are sorted, offsets[0]==0)
    seg = jnp.searchsorted(offsets, jnp.arange(T), side='right') - 1
    gathered = jnp.take(table, text, axis=0)  # [T, D]
    sums = jax.ops.segment_sum(gathered, seg, num_segments=B)  # [B, D]
    counts = jax.ops.segment_sum(jnp.ones((T,), dtype=jnp.float32), seg, num_segments=B)
    counts = jnp.maximum(counts, 1.0)
    embedded = sums / counts[:, None]  # EmbeddingBag default mode='mean'
    out = embedded @ W.T + b
    return out

if __name__ == "__main__":
    import jax
    _d = setup_inputs()
    print(jax.jit(kernel)(*tuple(_d.values())))

</pallas_src>

<mosaic_0001>
#map = affine_map<(d0, d1) -> (0)>
#map1 = affine_map<(d0, d1) -> (0, 0)>
module attributes {stable_mosaic.version = 14 : i64} {
  func.func @body(%arg0: i32, %arg1: i32, %arg2: memref<204800xi32, #tpu.memory_space<hbm>>, %arg3: memref<1000000x64xf32, #tpu.memory_space<hbm>>, %arg4: memref<4096x64xf32, #tpu.memory_space<hbm>>, %arg5: memref<32x64xf32, #tpu.memory_space<hbm>>, %arg6: memref<128xi32, #tpu.memory_space<vmem>>, %arg7: memref<128x64xf32, #tpu.memory_space<vmem>>, %arg8: memref<6272xi32, #tpu.memory_space<vmem>>, %arg9: memref<128x64xf32, #tpu.memory_space<vmem>>, %arg10: memref<64xf32, #tpu.memory_space<vmem>>, %arg11: memref<!tpu.dma_semaphore, #tpu.memory_space<semaphore_mem>>) attributes {dimension_semantics = [#tpu.dimension_semantics<core_parallel>, #tpu.dimension_semantics<subcore_parallel>], iteration_bounds = array<i64: 2, 16>, scalar_prefetch = 0 : i64, scratch_operands = 6 : i64, tpu.core_type = #tpu.core_type<sc_vector_subcore>, window_params = [{transform_indices = #map}, {transform_indices = #map1}, {transform_indices = #map1}, {transform_indices = #map1}]} {
    %mul3A = arith.constant 16 : i32
    %mul3A_0 = arith.muli %arg0, %mul3A : i32
    %add3A = arith.addi %mul3A_0, %arg1 : i32
    %mul3A_1 = arith.constant 128 : i32
    %mul3A_2 = arith.muli %add3A, %mul3A_1 : i32
    "tpu.region"() ({
      %run_scoped3A = tpu.sem_alloc : memref<!tpu.dma_semaphore, #tpu.memory_space<semaphore_mem>>
      %dma_start3A_32 = tpu.memref_slice %arg2[%mul3A_2] : memref<204800xi32, #tpu.memory_space<hbm>> -> memref<128xi32, #tpu.memory_space<hbm>>
      %dma_start3A_33 = tpu.memref_slice %arg2[%mul3A_2] : memref<204800xi32, #tpu.memory_space<hbm>> -> memref<128xi32, #tpu.memory_space<hbm>>
      tpu.enqueue_dma source(%dma_start3A_33 : memref<128xi32, #tpu.memory_space<hbm>>) target(%arg6 : memref<128xi32, #tpu.memory_space<vmem>>) target_semaphore(%run_scoped3A : memref<!tpu.dma_semaphore, #tpu.memory_space<semaphore_mem>>)
      %dma_wait3A_34 = tpu.memref_slice %arg2[%mul3A_2] : memref<204800xi32, #tpu.memory_space<hbm>> -> memref<128xi32, #tpu.memory_space<hbm>>
      %dma_wait3A_35 = tpu.memref_slice %arg2[%mul3A_2] : memref<204800xi32, #tpu.memory_space<hbm>> -> memref<128xi32, #tpu.memory_space<hbm>>
      tpu.wait_dma2 semaphore(%run_scoped3A : memref<!tpu.dma_semaphore, #tpu.memory_space<semaphore_mem>>) src(%dma_wait3A_35 : memref<128xi32, #tpu.memory_space<hbm>>) dst(%arg6 : memref<128xi32, #tpu.memory_space<vmem>>)
      tpu.yield
    }) : () -> ()
    %dma_start3A = arith.constant 0 : i32
    %dma_start3A_3 = arith.constant 0 : i32
    %dma_start3A_4 = tpu.memref_slice %arg3[%dma_start3A, %dma_start3A_3] : memref<1000000x64xf32, #tpu.memory_space<hbm>> -> memref<1000000x64xf32, #tpu.memory_space<hbm>>
    tpu.enqueue_indirect_dma source(%dma_start3A_4 : memref<1000000x64xf32, #tpu.memory_space<hbm>>) target(%arg7 : memref<128x64xf32, #tpu.memory_space<vmem>>) offsets(%arg6 : memref<128xi32, #tpu.memory_space<vmem>>) semaphore(%arg11 : memref<!tpu.dma_semaphore, #tpu.memory_space<semaphore_mem>>)
    %dma_wait3A = arith.constant 0 : i32
    %dma_wait3A_5 = arith.constant 0 : i32
    %dma_wait3A_6 = tpu.memref_slice %arg3[%dma_wait3A, %dma_wait3A_5] : memref<1000000x64xf32, #tpu.memory_space<hbm>> -> memref<1000000x64xf32, #tpu.memory_space<hbm>>
    tpu.wait_indirect_dma semaphore(%arg11 : memref<!tpu.dma_semaphore, #tpu.memory_space<semaphore_mem>>) src(%dma_wait3A_6 : memref<1000000x64xf32, #tpu.memory_space<hbm>>) dst(%arg7 : memref<128x64xf32, #tpu.memory_space<vmem>>)
    "tpu.region"() ({
      %run_scoped3A = tpu.sem_alloc : memref<!tpu.dma_semaphore, #tpu.memory_space<semaphore_mem>>
      %dma_start3A_32 = arith.constant 0 : i32
      %dma_start3A_33 = tpu.memref_slice %arg4[%mul3A_2, %dma_start3A_32] : memref<4096x64xf32, #tpu.memory_space<hbm>> -> memref<128x64xf32, #tpu.memory_space<hbm>>
      %dma_start3A_34 = arith.constant 0 : i32
      %dma_start3A_35 = tpu.memref_slice %arg4[%mul3A_2, %dma_start3A_34] : memref<4096x64xf32, #tpu.memory_space<hbm>> -> memref<128x64xf32, #tpu.memory_space<hbm>>
      tpu.enqueue_dma source(%arg7 : memref<128x64xf32, #tpu.memory_space<vmem>>) target(%dma_start3A_35 : memref<128x64xf32, #tpu.memory_space<hbm>>) target_semaphore(%run_scoped3A : memref<!tpu.dma_semaphore, #tpu.memory_space<semaphore_mem>>)
      %dma_wait3A_36 = arith.constant 0 : i32
      %dma_wait3A_37 = tpu.memref_slice %arg4[%mul3A_2, %dma_wait3A_36] : memref<4096x64xf32, #tpu.memory_space<hbm>> -> memref<128x64xf32, #tpu.memory_space<hbm>>
      %dma_wait3A_38 = arith.constant 0 : i32
      %dma_wait3A_39 = tpu.memref_slice %arg4[%mul3A_2, %dma_wait3A_38] : memref<4096x64xf32, #tpu.memory_space<hbm>> -> memref<128x64xf32, #tpu.memory_space<hbm>>
      tpu.wait_dma2 semaphore(%run_scoped3A : memref<!tpu.dma_semaphore, #tpu.memory_space<semaphore_mem>>) src(%arg7 : memref<128x64xf32, #tpu.memory_space<vmem>>) dst(%dma_wait3A_39 : memref<128x64xf32, #tpu.memory_space<hbm>>)
      tpu.yield
    }) : () -> ()
    %mul3A_7 = arith.constant 6272 : i32
    %mul3A_8 = arith.muli %add3A, %mul3A_7 : i32
    %add3A_9 = arith.constant 4096 : i32
    %add3A_10 = arith.addi %add3A_9, %mul3A_8 : i32
    "tpu.region"() ({
      %run_scoped3A = tpu.sem_alloc : memref<!tpu.dma_semaphore, #tpu.memory_space<semaphore_mem>>
      %dma_start3A_32 = tpu.memref_slice %arg2[%add3A_10] : memref<204800xi32, #tpu.memory_space<hbm>> -> memref<6272xi32, #tpu.memory_space<hbm>>
      %dma_start3A_33 = tpu.memref_slice %arg2[%add3A_10] : memref<204800xi32, #tpu.memory_space<hbm>> -> memref<6272xi32, #tpu.memory_space<hbm>>
      tpu.enqueue_dma source(%dma_start3A_33 : memref<6272xi32, #tpu.memory_space<hbm>>) target(%arg8 : memref<6272xi32, #tpu.memory_space<vmem>>) target_semaphore(%run_scoped3A : memref<!tpu.dma_semaphore, #tpu.memory_space<semaphore_mem>>)
      %dma_wait3A_34 = tpu.memref_slice %arg2[%add3A_10] : memref<204800xi32, #tpu.memory_space<hbm>> -> memref<6272xi32, #tpu.memory_space<hbm>>
      %dma_wait3A_35 = tpu.memref_slice %arg2[%add3A_10] : memref<204800xi32, #tpu.memory_space<hbm>> -> memref<6272xi32, #tpu.memory_space<hbm>>
      tpu.wait_dma2 semaphore(%run_scoped3A : memref<!tpu.dma_semaphore, #tpu.memory_space<semaphore_mem>>) src(%dma_wait3A_35 : memref<6272xi32, #tpu.memory_space<hbm>>) dst(%arg8 : memref<6272xi32, #tpu.memory_space<vmem>>)
      tpu.yield
    }) : () -> ()
    %broadcast_in_dim3A = arith.constant 0.000000e+00 : f32
    %broadcast_in_dim3A_11 = vector.broadcast %broadcast_in_dim3A : f32 to vector<16xf32>
    %scan3A = arith.constant 0 : i32
    %scan3A_12 = arith.constant 49 : i32
    %scan3A_13 = arith.addi %scan3A, %scan3A_12 : i32
    %scan3A_14 = arith.constant 1 : i32
    %scan3A_15:4 = scf.for %scan3A_32 = %scan3A to %scan3A_13 step %scan3A_14 iter_args(%scan3A_33 = %broadcast_in_dim3A_11, %scan3A_34 = %broadcast_in_dim3A_11, %scan3A_35 = %broadcast_in_dim3A_11, %scan3A_36 = %broadcast_in_dim3A_11) -> (vector<16xf32>, vector<16xf32>, vector<16xf32>, vector<16xf32>)  : i32 {
      %mul3A_37 = arith.constant 128 : i32
      %mul3A_38 = arith.muli %scan3A_32, %mul3A_37 : i32
      %dma_start3A_39 = tpu.memref_slice %arg8[%mul3A_38] : memref<6272xi32, #tpu.memory_space<vmem>> -> memref<128xi32, #tpu.memory_space<vmem>>
      %dma_start3A_40 = arith.constant 0 : i32
      %dma_start3A_41 = arith.constant 0 : i32
      %dma_start3A_42 = tpu.memref_slice %arg3[%dma_start3A_40, %dma_start3A_41] : memref<1000000x64xf32, #tpu.memory_space<hbm>> -> memref<1000000x64xf32, #tpu.memory_space<hbm>>
      tpu.enqueue_indirect_dma source(%dma_start3A_42 : memref<1000000x64xf32, #tpu.memory_space<hbm>>) target(%arg9 : memref<128x64xf32, #tpu.memory_space<vmem>>) offsets(%dma_start3A_39 : memref<128xi32, #tpu.memory_space<vmem>>) semaphore(%arg11 : memref<!tpu.dma_semaphore, #tpu.memory_space<semaphore_mem>>)
      %dma_wait3A_43 = tpu.memref_slice %arg8[%mul3A_38] : memref<6272xi32, #tpu.memory_space<vmem>> -> memref<128xi32, #tpu.memory_space<vmem>>
      %dma_wait3A_44 = arith.constant 0 : i32
      %dma_wait3A_45 = arith.constant 0 : i32
      %dma_wait3A_46 = tpu.memref_slice %arg3[%dma_wait3A_44, %dma_wait3A_45] : memref<1000000x64xf32, #tpu.memory_space<hbm>> -> memref<1000000x64xf32, #tpu.memory_space<hbm>>
      tpu.wait_indirect_dma semaphore(%arg11 : memref<!tpu.dma_semaphore, #tpu.memory_space<semaphore_mem>>) src(%dma_wait3A_46 : memref<1000000x64xf32, #tpu.memory_space<hbm>>) dst(%arg9 : memref<128x64xf32, #tpu.memory_space<vmem>>)
      %scan3A_47 = arith.constant 0 : i32
      %scan3A_48 = arith.constant 16 : i32
      %scan3A_49 = arith.addi %scan3A_47, %scan3A_48 : i32
      %scan3A_50 = arith.constant 1 : i32
      %scan3A_51:4 = scf.for %scan3A_53 = %scan3A_47 to %scan3A_49 step %scan3A_50 iter_args(%scan3A_54 = %scan3A_33, %scan3A_55 = %scan3A_34, %scan3A_56 = %scan3A_35, %scan3A_57 = %scan3A_36) -> (vector<16xf32>, vector<16xf32>, vector<16xf32>, vector<16xf32>)  : i32 {
        %mul3A_58 = arith.constant 8 : i32
        %mul3A_59 = arith.muli %scan3A_53, %mul3A_58 : i32
        %add3A_60 = arith.constant 0 : i32
        %add3A_61 = arith.addi %mul3A_59, %add3A_60 : i32
        %get3A = arith.index_cast %add3A_61 : i32 to index
        %get3A_62 = arith.constant 0 : index
        %get3A_63 = tpu.vector_load %arg9[%get3A, %get3A_62] {strides = array<i32>} : memref<128x64xf32, #tpu.memory_space<vmem>>, vector<1x16xf32>,
        %get3A_64 = vector.shape_cast %get3A_63 : vector<1x16xf32> to vector<16xf32>
        %add3A_65 = arith.addf %scan3A_54, %get3A_64 : vector<16xf32>
        %get3A_66 = arith.index_cast %add3A_61 : i32 to index
        %get3A_67 = arith.constant 16 : index
        %get3A_68 = tpu.vector_load %arg9[%get3A_66, %get3A_67] {strides = array<i32>} : memref<128x64xf32, #tpu.memory_space<vmem>>, vector<1x16xf32>,
        %get3A_69 = vector.shape_cast %get3A_68 : vector<1x16xf32> to vector<16xf32>
        %add3A_70 = arith.addf %scan3A_55, %get3A_69 : vector<16xf32>
        %get3A_71 = arith.index_cast %add3A_61 : i32 to index
        %get3A_72 = arith.constant 32 : index
        %get3A_73 = tpu.vector_load %arg9[%get3A_71, %get3A_72] {strides = array<i32>} : memref<128x64xf32, #tpu.memory_space<vmem>>, vector<1x16xf32>,
        %get3A_74 = vector.shape_cast %get3A_73 : vector<1x16xf32> to vector<16xf32>
        %add3A_75 = arith.addf %scan3A_56, %get3A_74 : vector<16xf32>
        %get3A_76 = arith.index_cast %add3A_61 : i32 to index
        %get3A_77 = arith.constant 48 : index
        %get3A_78 = tpu.vector_load %arg9[%get3A_76, %get3A_77] {strides = array<i32>} : memref<128x64xf32, #tpu.memory_space<vmem>>, vector<1x16xf32>,
        %get3A_79 = vector.shape_cast %get3A_78 : vector<1x16xf32> to vector<16xf32>
        %add3A_80 = arith.addf %scan3A_57, %get3A_79 : vector<16xf32>
        %mul3A_81 = arith.constant 8 : i32
        %mul3A_82 = arith.muli %scan3A_53, %mul3A_81 : i32
        %add3A_83 = arith.constant 1 : i32
        %add3A_84 = arith.addi %mul3A_82, %add3A_83 : i32
        %get3A_85 = arith.index_cast %add3A_84 : i32 to index
        %get3A_86 = arith.constant 0 : index
        %get3A_87 = tpu.vector_load %arg9[%get3A_85, %get3A_86] {strides = array<i32>} : memref<128x64xf32, #tpu.memory_space<vmem>>, vector<1x16xf32>,
        %get3A_88 = vector.shape_cast %get3A_87 : vector<1x16xf32> to vector<16xf32>
        %add3A_89 = arith.addf %add3A_65, %get3A_88 : vector<16xf32>
        %get3A_90 = arith.index_cast %add3A_84 : i32 to index
        %get3A_91 = arith.constant 16 : index
        %get3A_92 = tpu.vector_load %arg9[%get3A_90, %get3A_91] {strides = array<i32>} : memref<128x64xf32, #tpu.memory_space<vmem>>, vector<1x16xf32>,
        %get3A_93 = vector.shape_cast %get3A_92 : vector<1x16xf32> to vector<16xf32>
        %add3A_94 = arith.addf %add3A_70, %get3A_93 : vector<16xf32>
        %get3A_95 = arith.index_cast %add3A_84 : i32 to index
        %get3A_96 = arith.constant 32 : index
        %get3A_97 = tpu.vector_load %arg9[%get3A_95, %get3A_96] {strides = array<i32>} : memref<128x64xf32, #tpu.memory_space<vmem>>, vector<1x16xf32>,
        %get3A_98 = vector.shape_cast %get3A_97 : vector<1x16xf32> to vector<16xf32>
        %add3A_99 = arith.addf %add3A_75, %get3A_98 : vector<16xf32>
        %get3A_100 = arith.index_cast %add3A_84 : i32 to index
        %get3A_101 = arith.constant 48 : index
        %get3A_102 = tpu.vector_load %arg9[%get3A_100, %get3A_101] {strides = array<i32>} : memref<128x64xf32, #tpu.memory_space<vmem>>, vector<1x16xf32>,
        %get3A_103 = vector.shape_cast %get3A_102 : vector<1x16xf32> to vector<16xf32>
        %add3A_104 = arith.addf %add3A_80, %get3A_103 : vector<16xf32>
        %mul3A_105 = arith.constant 8 : i32
        %mul3A_106 = arith.muli %scan3A_53, %mul3A_105 : i32
        %add3A_107 = arith.constant 2 : i32
        %add3A_108 = arith.addi %mul3A_106, %add3A_107 : i32
        %get3A_109 = arith.index_cast %add3A_108 : i32 to index
        %get3A_110 = arith.constant 0 : index
        %get3A_111 = tpu.vector_load %arg9[%get3A_109, %get3A_110] {strides = array<i32>} : memref<128x64xf32, #tpu.memory_space<vmem>>, vector<1x16xf32>,
        %get3A_112 = vector.shape_cast %get3A_111 : vector<1x16xf32> to vector<16xf32>
        %add3A_113 = arith.addf %add3A_89, %get3A_112 : vector<16xf32>
        %get3A_114 = arith.index_cast %add3A_108 : i32 to index
        %get3A_115 = arith.constant 16 : index
        %get3A_116 = tpu.vector_load %arg9[%get3A_114, %get3A_115] {strides = array<i32>} : memref<128x64xf32, #tpu.memory_space<vmem>>, vector<1x16xf32>,
        %get3A_117 = vector.shape_cast %get3A_116 : vector<1x16xf32> to vector<16xf32>
        %add3A_118 = arith.addf %add3A_94, %get3A_117 : vector<16xf32>
        %get3A_119 = arith.index_cast %add3A_108 : i32 to index
        %get3A_120 = arith.constant 32 : index
        %get3A_121 = tpu.vector_load %arg9[%get3A_119, %get3A_120] {strides = array<i32>} : memref<128x64xf32, #tpu.memory_space<vmem>>, vector<1x16xf32>,
        %get3A_122 = vector.shape_cast %get3A_121 : vector<1x16xf32> to vector<16xf32>
        %add3A_123 = arith.addf %add3A_99, %get3A_122 : vector<16xf32>
        %get3A_124 = arith.index_cast %add3A_108 : i32 to index
        %get3A_125 = arith.constant 48 : index
        %get3A_126 = tpu.vector_load %arg9[%get3A_124, %get3A_125] {strides = array<i32>} : memref<128x64xf32, #tpu.memory_space<vmem>>, vector<1x16xf32>,
        %get3A_127 = vector.shape_cast %get3A_126 : vector<1x16xf32> to vector<16xf32>
        %add3A_128 = arith.addf %add3A_104, %get3A_127 : vector<16xf32>
        %mul3A_129 = arith.constant 8 : i32
        %mul3A_130 = arith.muli %scan3A_53, %mul3A_129 : i32
        %add3A_131 = arith.constant 3 : i32
        %add3A_132 = arith.addi %mul3A_130, %add3A_131 : i32
        %get3A_133 = arith.index_cast %add3A_132 : i32 to index
        %get3A_134 = arith.constant 0 : index
        %get3A_135 = tpu.vector_load %arg9[%get3A_133, %get3A_134] {strides = array<i32>} : memref<128x64xf32, #tpu.memory_space<vmem>>, vector<1x16xf32>,
        %get3A_136 = vector.shape_cast %get3A_135 : vector<1x16xf32> to vector<16xf32>
        %add3A_137 = arith.addf %add3A_113, %get3A_136 : vector<16xf32>
        %get3A_138 = arith.index_cast %add3A_132 : i32 to index
        %get3A_139 = arith.constant 16 : index
        %get3A_140 = tpu.vector_load %arg9[%get3A_138, %get3A_139] {strides = array<i32>} : memref<128x64xf32, #tpu.memory_space<vmem>>, vector<1x16xf32>,
        %get3A_141 = vector.shape_cast %get3A_140 : vector<1x16xf32> to vector<16xf32>
        %add3A_142 = arith.addf %add3A_118, %get3A_141 : vector<16xf32>
        %get3A_143 = arith.index_cast %add3A_132 : i32 to index
        %get3A_144 = arith.constant 32 : index
        %get3A_145 = tpu.vector_load %arg9[%get3A_143, %get3A_144] {strides = array<i32>} : memref<128x64xf32, #tpu.memory_space<vmem>>, vector<1x16xf32>,
        %get3A_146 = vector.shape_cast %get3A_145 : vector<1x16xf32> to vector<16xf32>
        %add3A_147 = arith.addf %add3A_123, %get3A_146 : vector<16xf32>
        %get3A_148 = arith.index_cast %add3A_132 : i32 to index
        %get3A_149 = arith.constant 48 : index
        %get3A_150 = tpu.vector_load %arg9[%get3A_148, %get3A_149] {strides = array<i32>} : memref<128x64xf32, #tpu.memory_space<vmem>>, vector<1x16xf32>,
        %get3A_151 = vector.shape_cast %get3A_150 : vector<1x16xf32> to vector<16xf32>
        %add3A_152 = arith.addf %add3A_128, %get3A_151 : vector<16xf32>
        %mul3A_153 = arith.constant 8 : i32
        %mul3A_154 = arith.muli %scan3A_53, %mul3A_153 : i32
        %add3A_155 = arith.constant 4 : i32
        %add3A_156 = arith.addi %mul3A_154, %add3A_155 : i32
        %get3A_157 = arith.index_cast %add3A_156 : i32 to index
        %get3A_158 = arith.constant 0 : index
        %get3A_159 = tpu.vector_load %arg9[%get3A_157, %get3A_158] {strides = array<i32>} : memref<128x64xf32, #tpu.memory_space<vmem>>, vector<1x16xf32>,
        %get3A_160 = vector.shape_cast %get3A_159 : vector<1x16xf32> to vector<16xf32>
        %add3A_161 = arith.addf %add3A_137, %get3A_160 : vector<16xf32>
        %get3A_162 = arith.index_cast %add3A_156 : i32 to index
        %get3A_163 = arith.constant 16 : index
        %get3A_164 = tpu.vector_load %arg9[%get3A_162, %get3A_163] {strides = array<i32>} : memref<128x64xf32, #tpu.memory_space<vmem>>, vector<1x16xf32>,
        %get3A_165 = vector.shape_cast %get3A_164 : vector<1x16xf32> to vector<16xf32>
        %add3A_166 = arith.addf %add3A_142, %get3A_165 : vector<16xf32>
        %get3A_167 = arith.index_cast %add3A_156 : i32 to index
        %get3A_168 = arith.constant 32 : index
        %get3A_169 = tpu.vector_load %arg9[%get3A_167, %get3A_168] {strides = array<i32>} : memref<128x64xf32, #tpu.memory_space<vmem>>, vector<1x16xf32>,
        %get3A_170 = vector.shape_cast %get3A_169 : vector<1x16xf32> to vector<16xf32>
        %add3A_171 = arith.addf %add3A_147, %get3A_170 : vector<16xf32>
        %get3A_172 = arith.index_cast %add3A_156 : i32 to index
        %get3A_173 = arith.constant 48 : index
        %get3A_174 = tpu.vector_load %arg9[%get3A_172, %get3A_173] {strides = array<i32>} : memref<128x64xf32, #tpu.memory_space<vmem>>, vector<1x16xf32>,
        %get3A_175 = vector.shape_cast %get3A_174 : vector<1x16xf32> to vector<16xf32>
        %add3A_176 = arith.addf %add3A_152, %get3A_175 : vector<16xf32>
        %mul3A_177 = arith.constant 8 : i32
        %mul3A_178 = arith.muli %scan3A_53, %mul3A_177 : i32
        %add3A_179 = arith.constant 5 : i32
        %add3A_180 = arith.addi %mul3A_178, %add3A_179 : i32
        %get3A_181 = arith.index_cast %add3A_180 : i32 to index
        %get3A_182 = arith.constant 0 : index
        %get3A_183 = tpu.vector_load %arg9[%get3A_181, %get3A_182] {strides = array<i32>} : memref<128x64xf32, #tpu.memory_space<vmem>>, vector<1x16xf32>,
        %get3A_184 = vector.shape_cast %get3A_183 : vector<1x16xf32> to vector<16xf32>
        %add3A_185 = arith.addf %add3A_161, %get3A_184 : vector<16xf32>
        %get3A_186 = arith.index_cast %add3A_180 : i32 to index
        %get3A_187 = arith.constant 16 : index
        %get3A_188 = tpu.vector_load %arg9[%get3A_186, %get3A_187] {strides = array<i32>} : memref<128x64xf32, #tpu.memory_space<vmem>>, vector<1x16xf32>,
        %get3A_189 = vector.shape_cast %get3A_188 : vector<1x16xf32> to vector<16xf32>
        %add3A_190 = arith.addf %add3A_166, %get3A_189 : vector<16xf32>
        %get3A_191 = arith.index_cast %add3A_180 : i32 to index
        %get3A_192 = arith.constant 32 : index
        %get3A_193 = tpu.vector_load %arg9[%get3A_191, %get3A_192] {strides = array<i32>} : memref<128x64xf32, #tpu.memory_space<vmem>>, vector<1x16xf32>,
        %get3A_194 = vector.shape_cast %get3A_193 : vector<1x16xf32> to vector<16xf32>
        %add3A_195 = arith.addf %add3A_171, %get3A_194 : vector<16xf32>
        %get3A_196 = arith.index_cast %add3A_180 : i32 to index
        %get3A_197 = arith.constant 48 : index
        %get3A_198 = tpu.vector_load %arg9[%get3A_196, %get3A_197] {strides = array<i32>} : memref<128x64xf32, #tpu.memory_space<vmem>>, vector<1x16xf32>,
        %get3A_199 = vector.shape_cast %get3A_198 : vector<1x16xf32> to vector<16xf32>
        %add3A_200 = arith.addf %add3A_176, %get3A_199 : vector<16xf32>
        %mul3A_201 = arith.constant 8 : i32
        %mul3A_202 = arith.muli %scan3A_53, %mul3A_201 : i32
        %add3A_203 = arith.constant 6 : i32
        %add3A_204 = arith.addi %mul3A_202, %add3A_203 : i32
        %get3A_205 = arith.index_cast %add3A_204 : i32 to index
        %get3A_206 = arith.constant 0 : index
        %get3A_207 = tpu.vector_load %arg9[%get3A_205, %get3A_206] {strides = array<i32>} : memref<128x64xf32, #tpu.memory_space<vmem>>, vector<1x16xf32>,
        %get3A_208 = vector.shape_cast %get3A_207 : vector<1x16xf32> to vector<16xf32>
        %add3A_209 = arith.addf %add3A_185, %get3A_208 : vector<16xf32>
        %get3A_210 = arith.index_cast %add3A_204 : i32 to index
        %get3A_211 = arith.constant 16 : index
        %get3A_212 = tpu.vector_load %arg9[%get3A_210, %get3A_211] {strides = array<i32>} : memref<128x64xf32, #tpu.memory_space<vmem>>, vector<1x16xf32>,
        %get3A_213 = vector.shape_cast %get3A_212 : vector<1x16xf32> to vector<16xf32>
        %add3A_214 = arith.addf %add3A_190, %get3A_213 : vector<16xf32>
        %get3A_215 = arith.index_cast %add3A_204 : i32 to index
        %get3A_216 = arith.constant 32 : index
        %get3A_217 = tpu.vector_load %arg9[%get3A_215, %get3A_216] {strides = array<i32>} : memref<128x64xf32, #tpu.memory_space<vmem>>, vector<1x16xf32>,
        %get3A_218 = vector.shape_cast %get3A_217 : vector<1x16xf32> to vector<16xf32>
        %add3A_219 = arith.addf %add3A_195, %get3A_218 : vector<16xf32>
        %get3A_220 = arith.index_cast %add3A_204 : i32 to index
        %get3A_221 = arith.constant 48 : index
        %get3A_222 = tpu.vector_load %arg9[%get3A_220, %get3A_221] {strides = array<i32>} : memref<128x64xf32, #tpu.memory_space<vmem>>, vector<1x16xf32>,
        %get3A_223 = vector.shape_cast %get3A_222 : vector<1x16xf32> to vector<16xf32>
        %add3A_224 = arith.addf %add3A_200, %get3A_223 : vector<16xf32>
        %mul3A_225 = arith.constant 8 : i32
        %mul3A_226 = arith.muli %scan3A_53, %mul3A_225 : i32
        %add3A_227 = arith.constant 7 : i32
        %add3A_228 = arith.addi %mul3A_226, %add3A_227 : i32
        %get3A_229 = arith.index_cast %add3A_228 : i32 to index
        %get3A_230 = arith.constant 0 : index
        %get3A_231 = tpu.vector_load %arg9[%get3A_229, %get3A_230] {strides = array<i32>} : memref<128x64xf32, #tpu.memory_space<vmem>>, vector<1x16xf32>,
        %get3A_232 = vector.shape_cast %get3A_231 : vector<1x16xf32> to vector<16xf32>
        %add3A_233 = arith.addf %add3A_209, %get3A_232 : vector<16xf32>
        %get3A_234 = arith.index_cast %add3A_228 : i32 to index
        %get3A_235 = arith.constant 16 : index
        %get3A_236 = tpu.vector_load %arg9[%get3A_234, %get3A_235] {strides = array<i32>} : memref<128x64xf32, #tpu.memory_space<vmem>>, vector<1x16xf32>,
        %get3A_237 = vector.shape_cast %get3A_236 : vector<1x16xf32> to vector<16xf32>
        %add3A_238 = arith.addf %add3A_214, %get3A_237 : vector<16xf32>
        %get3A_239 = arith.index_cast %add3A_228 : i32 to index
        %get3A_240 = arith.constant 32 : index
        %get3A_241 = tpu.vector_load %arg9[%get3A_239, %get3A_240] {strides = array<i32>} : memref<128x64xf32, #tpu.memory_space<vmem>>, vector<1x16xf32>,
        %get3A_242 = vector.shape_cast %get3A_241 : vector<1x16xf32> to vector<16xf32>
        %add3A_243 = arith.addf %add3A_219, %get3A_242 : vector<16xf32>
        %get3A_244 = arith.index_cast %add3A_228 : i32 to index
        %get3A_245 = arith.constant 48 : index
        %get3A_246 = tpu.vector_load %arg9[%get3A_244, %get3A_245] {strides = array<i32>} : memref<128x64xf32, #tpu.memory_space<vmem>>, vector<1x16xf32>,
        %get3A_247 = vector.shape_cast %get3A_246 : vector<1x16xf32> to vector<16xf32>
        %add3A_248 = arith.addf %add3A_224, %get3A_247 : vector<16xf32>
        scf.yield %add3A_233, %add3A_238, %add3A_243, %add3A_248 : vector<16xf32>, vector<16xf32>, vector<16xf32>, vector<16xf32>
      }
      %scan3A_52 = arith.constant 16 : i32
      scf.yield %scan3A_51#0, %scan3A_51#1, %scan3A_51#2, %scan3A_51#3 : vector<16xf32>, vector<16xf32>, vector<16xf32>, vector<16xf32>
    }
    %scan3A_16 = arith.constant 49 : i32
    %swap3A = arith.constant 0 : index
    %swap3A_17 = tpu.vector_load %arg10[%swap3A] {strides = array<i32>} : memref<64xf32, #tpu.memory_space<vmem>>, vector<16xf32>,
    %swap3A_18 = vector.shape_cast %swap3A_17 : vector<16xf32> to vector<16xf32>
    %swap3A_19 = vector.shape_cast %scan3A_15#0 : vector<16xf32> to vector<16xf32>
    tpu.vector_store %arg10[%swap3A], %swap3A_19 {strides = array<i32>} : memref<64xf32, #tpu.memory_space<vmem>>, vector<16xf32>,
    %swap3A_20 = arith.constant 16 : index
    %swap3A_21 = tpu.vector_load %arg10[%swap3A_20] {strides = array<i32>} : memref<64xf32, #tpu.memory_space<vmem>>, vector<16xf32>,
    %swap3A_22 = vector.shape_cast %swap3A_21 : vector<16xf32> to vector<16xf32>
    %swap3A_23 = vector.shape_cast %scan3A_15#1 : vector<16xf32> to vector<16xf32>
    tpu.vector_store %arg10[%swap3A_20], %swap3A_23 {strides = array<i32>} : memref<64xf32, #tpu.memory_space<vmem>>, vector<16xf32>,
    %swap3A_24 = arith.constant 32 : index
    %swap3A_25 = tpu.vector_load %arg10[%swap3A_24] {strides = array<i32>} : memref<64xf32, #tpu.memory_space<vmem>>, vector<16xf32>,
    %swap3A_26 = vector.shape_cast %swap3A_25 : vector<16xf32> to vector<16xf32>
    %swap3A_27 = vector.shape_cast %scan3A_15#2 : vector<16xf32> to vector<16xf32>
    tpu.vector_store %arg10[%swap3A_24], %swap3A_27 {strides = array<i32>} : memref<64xf32, #tpu.memory_space<vmem>>, vector<16xf32>,
    %swap3A_28 = arith.constant 48 : index
    %swap3A_29 = tpu.vector_load %arg10[%swap3A_28] {strides = array<i32>} : memref<64xf32, #tpu.memory_space<vmem>>, vector<16xf32>,
    %swap3A_30 = vector.shape_cast %swap3A_29 : vector<16xf32> to vector<16xf32>
    %swap3A_31 = vector.shape_cast %scan3A_15#3 : vector<16xf32> to vector<16xf32>
    tpu.vector_store %arg10[%swap3A_28], %swap3A_31 {strides = array<i32>} : memref<64xf32, #tpu.memory_space<vmem>>, vector<16xf32>,
    "tpu.region"() ({
      %run_scoped3A = tpu.sem_alloc : memref<!tpu.dma_semaphore, #tpu.memory_space<semaphore_mem>>
      %dma_start3A_32 = arith.constant 0 : i32
      %dma_start3A_33 = tpu.memref_slice %arg5[%add3A, %dma_start3A_32] : memref<32x64xf32, #tpu.memory_space<hbm>> -> memref<1x64xf32, #tpu.memory_space<hbm>>
      %dma_start3A_34 = tpu.memref_squeeze %dma_start3A_33 : memref<1x64xf32, #tpu.memory_space<hbm>> -> memref<64xf32, #tpu.memory_space<hbm>>
      %dma_start3A_35 = arith.constant 0 : i32
      %dma_start3A_36 = tpu.memref_slice %arg5[%add3A, %dma_start3A_35] : memref<32x64xf32, #tpu.memory_space<hbm>> -> memref<1x64xf32, #tpu.memory_space<hbm>>
      %dma_start3A_37 = tpu.memref_squeeze %dma_start3A_36 : memref<1x64xf32, #tpu.memory_space<hbm>> -> memref<64xf32, #tpu.memory_space<hbm>>
      tpu.enqueue_dma source(%arg10 : memref<64xf32, #tpu.memory_space<vmem>>) target(%dma_start3A_37 : memref<64xf32, #tpu.memory_space<hbm>>) target_semaphore(%run_scoped3A : memref<!tpu.dma_semaphore, #tpu.memory_space<semaphore_mem>>)
      %dma_wait3A_38 = arith.constant 0 : i32
      %dma_wait3A_39 = tpu.memref_slice %arg5[%add3A, %dma_wait3A_38] : memref<32x64xf32, #tpu.memory_space<hbm>> -> memref<1x64xf32, #tpu.memory_space<hbm>>
      %dma_wait3A_40 = tpu.memref_squeeze %dma_wait3A_39 : memref<1x64xf32, #tpu.memory_space<hbm>> -> memref<64xf32, #tpu.memory_space<hbm>>
      %dma_wait3A_41 = arith.constant 0 : i32
      %dma_wait3A_42 = tpu.memref_slice %arg5[%add3A, %dma_wait3A_41] : memref<32x64xf32, #tpu.memory_space<hbm>> -> memref<1x64xf32, #tpu.memory_space<hbm>>
      %dma_wait3A_43 = tpu.memref_squeeze %dma_wait3A_42 : memref<1x64xf32, #tpu.memory_space<hbm>> -> memref<64xf32, #tpu.memory_space<hbm>>
      tpu.wait_dma2 semaphore(%run_scoped3A : memref<!tpu.dma_semaphore, #tpu.memory_space<semaphore_mem>>) src(%arg10 : memref<64xf32, #tpu.memory_space<vmem>>) dst(%dma_wait3A_43 : memref<64xf32, #tpu.memory_space<hbm>>)
      tpu.yield
    }) : () -> ()
    return
  }
}

module attributes {stable_mosaic.version = 14 : i64} {
  func.func @body(%arg0: memref<4096x64xf32, #tpu.memory_space<vmem>>, %arg1: memref<32x64xf32, #tpu.memory_space<vmem>>, %arg2: memref<64x4xf32, #tpu.memory_space<vmem>>, %arg3: memref<1x4xf32, #tpu.memory_space<vmem>>, %arg4: memref<4096x4xf32, #tpu.memory_space<vmem>>) attributes {dimension_semantics = [], scalar_prefetch = 0 : i64, scratch_operands = 0 : i64, tpu.core_type = #tpu.core_type<tc>} {
    %get3A = arith.constant 0 : index
    %get3A_0 = arith.constant 0 : index
    %get3A_1 = vector.load %arg0[%get3A, %get3A_0] : memref<4096x64xf32, #tpu.memory_space<vmem>>, vector<4096x64xf32>
    %slice3A = vector.extract_strided_slice %get3A_1 {offsets = [4095, 0], sizes = [1, 64], strides = [1, 1]} : vector<4096x64xf32> to vector<1x64xf32>
    %get3A_2 = arith.constant 0 : index
    %get3A_3 = arith.constant 0 : index
    %get3A_4 = vector.load %arg1[%get3A_2, %get3A_3] : memref<32x64xf32, #tpu.memory_space<vmem>>, vector<32x64xf32>
    %reduce_sum3A = arith.constant dense<0.000000e+00> : vector<64xf32>
    %reduce_sum3A_5 = vector.multi_reduction <add>, %get3A_4, %reduce_sum3A [0] : vector<32x64xf32> to vector<64xf32>
    %broadcast_in_dim3A = vector.shape_cast %reduce_sum3A_5 : vector<64xf32> to vector<1x64xf32>
    %add3A = arith.addf %slice3A, %broadcast_in_dim3A : vector<1x64xf32>
    %div3A = arith.constant 2.007050e+05 : f32
    %div3A_6 = vector.broadcast %div3A : f32 to vector<1x64xf32>
    %div3A_7 = arith.divf %add3A, %div3A_6 : vector<1x64xf32>
    %iota3A = tpu.iota {dimensions = array<i32: 0>} : vector<4096x1xi32>
    %eq3A = arith.constant 4095 : i32
    %eq3A_8 = vector.broadcast %eq3A : i32 to vector<4096x1xi32>
    %eq3A_9 = arith.cmpi eq, %iota3A, %eq3A_8 : vector<4096x1xi32>
    %broadcast_in_dim3A_10 = vector.shape_cast %eq3A_9 : vector<4096x1xi1> to vector<4096x1xi1>
    %broadcast_in_dim3A_11 = vector.broadcast %broadcast_in_dim3A_10 : vector<4096x1xi1> to vector<4096x64xi1>
    %broadcast_in_dim3A_12 = vector.shape_cast %div3A_7 : vector<1x64xf32> to vector<1x64xf32>
    %broadcast_in_dim3A_13 = vector.broadcast %broadcast_in_dim3A_12 : vector<1x64xf32> to vector<4096x64xf32>
    %select_n3A = arith.select %broadcast_in_dim3A_11, %broadcast_in_dim3A_13, %get3A_1 : vector<4096x64xi1>, vector<4096x64xf32>
    %get3A_14 = arith.constant 0 : index
    %get3A_15 = arith.constant 0 : index
    %get3A_16 = vector.load %arg2[%get3A_14, %get3A_15] : memref<64x4xf32, #tpu.memory_space<vmem>>, vector<64x4xf32>
    %dot_general3A = arith.constant dense<0.000000e+00> : vector<4096x4xf32>
    %dot_general3A_17 = tpu.matmul %select_n3A, %get3A_16, %dot_general3A {dimension_numbers = #tpu.dot_dimension_numbers<[1], [0], [0], [1], [0, 0, 1, 1], [], []>, transpose_lhs_hint = false} : vector<4096x64xf32>, vector<64x4xf32>, vector<4096x4xf32> -> vector<4096x4xf32>
    %get3A_18 = arith.constant 0 : index
    %get3A_19 = arith.constant 0 : index
    %get3A_20 = vector.load %arg3[%get3A_18, %get3A_19] : memref<1x4xf32, #tpu.memory_space<vmem>>, vector<1x4xf32>
    %add3A_21 = vector.broadcast %get3A_20 : vector<1x4xf32> to vector<4096x4xf32>
    %add3A_22 = arith.addf %dot_general3A_17, %add3A_21 : vector<4096x4xf32>
    %swap3A = arith.constant 0 : index
    %swap3A_23 = arith.constant 0 : index
    %swap3A_24 = vector.load %arg4[%swap3A, %swap3A_23] : memref<4096x4xf32, #tpu.memory_space<vmem>>, vector<4096x4xf32>
    tpu.vector_store %arg4[%swap3A, %swap3A_23], %add3A_22 {strides = array<i32>} : memref<4096x4xf32, #tpu.memory_space<vmem>>, vector<4096x4xf32>,
    return
  }
}

</mosaic_0001>

<sc_bundles>
// kernel: kernel.4.cloned.1.call-start
scs
__scs_entry_jumppad:
0x0: {  	(pc) =	sbr.rel $0x88, $3  }
0x1: {  	(tag) =	ssettag $0x0;
	lr =	simm.s32 $0x1  }
0x2: {  	[smem:$0x3F9D] =	sst lr;
	_ =	strace $0xD0000000  }
0x3: {  	_ = 	snop  }
0x4: {  	_ = 	snop  }
0x5: {  	_ = 	snop  }
0x6: {  	_ = 	snop  }
0x7: {  	_ = 	snop  }
__scs_overlays_trampoline_lowered:
0x8: {  	[smem:$0x3FAC] =	sst s0  }
0x9: {  	[smem:$0x3FAD] =	sst s1  }
0xa: {  	[smem:$0x3FAE] =	sst s2  }
0xb: {  	[smem:$0x3FAF] =	sst s3  }
0xc: {  	[smem:$0x3FB0] =	sst s4  }
0xd: {  	[smem:$0x3FB1] =	sst s5  }
0xe: {  	[smem:$0x3FB2] =	sst s6  }
0xf: {  	[smem:$0x3FB3] =	sst s7  }
0x10: {  	[smem:$0x3FB4] =	sst s8  }
0x11: {  	[smem:$0x3FB5] =	sst s9;
	s0 =	simm.s32 @!p0 $0x0  }
0x12: {  	s1 =	sld [smem:$0x3F9B];
	s0 =	simm.s32 @p0 $0x1  }
0x13: {  	[smem:$0x3FB6] =	sst s0;
	s0 =	simm.s32 @!p1 $0x0  }
0x14: {  	s2 =	sld [smem:$0x3F9A];
	s0 =	simm.s32 @p1 $0x1  }
0x15: {  	[smem:$0x3FB7] =	sst s0;
	s0 =	simm.s32 @!p2 $0x0  }
0x16: {  	s3 =	sld [smem:$0x3FDB];
	s0 =	simm.s32 @p2 $0x1  }
0x17: {  	s4 =	simm.s32 $0x1BF5;
	[smem:$0x3FB9] =	sst s0  }
0x18: {  	s0 =	sld [smem:$0x3F9C];
	_ =	swait.ge [sflag:s4], $0x0  }
0x19: {  	s7 =	sld [smem:$0x3F9D]  }
0x1a: {  	s8 =	sadd.s32 $0xFFFFE003, lr  }
0x1b: {  	s9 =	sadd.s32 $0xFFFFFEF7, lr;
	s5 =	simm.s32 $0xFFFFFFFF;
	p2 =	slt.u32 s8, $0xFFFFF086  }
0x1c: {  	p1 =	slt.u32 s9, $0xF7A;
	s5 =	simm.s32 @!p2 $0x0  }
0x1d: {  	s5 =	simm.s32 @p1 $0x1;
	p0 =	seq.s32 s7, s2  }
0x1e: {  	s7 =	smul.u32 @!p0 $0xF7A, s2;
	p2 =	seq.s32 @!p0 s5, $0x0  }
0x1f: {  	s9 =	smul.u32 $0xF7A, s1;
	s8 =	simm.s32 @!p0 $0x1BF5;
	p2 =	por !p2, p0  }
0x20: {  	[sflag:s8] =	ssyncset.s32 @!p0 $0xFFFFF086;
	s6 =	sadd.s32 @!p0 s3, s7;
	s7 =	simm.s32 @!p0 $0x108  }
0x21: {  	s3 =	sadd.s32 s3, s9;
	s6 =	sadd.s32 @!p0 $0x88, s6;
	s7 =	simm.s32 @p2 $0x1082  }
0x22: {  	[simem:s7], [sflag:s8] =	dma.local @!p0 [hbm:s6], $0xF7A  }
0x23: {  	s9 =	sor.u32 $0xD0000000, s2;
	s6 =	simm.s32 $0x108;
	_ =	swait.ge @!p0 [sflag:s8], $0x0  }
0x24: {  	s3 =	sadd.s32 $0x88, s3;
	s6 =	simm.s32 @!p1 $0x1082;
	[sflag:s4] =	ssyncset.s32 $0xFFFFF086  }
0x25: {  	[simem:s6], [sflag:s4] =	dma.local [hbm:s3], $0xF7A  }
0x26: {  	[smem:$0x3F9D] =	sst s1;
	(tag) =	ssettag s2;
	_ =	strace s9  }
0x27: {  	s1 =	sld [smem:$0x3FAD]  }
0x28: {  	s2 =	sld [smem:$0x3FAE]  }
0x29: {  	s4 =	sld [smem:$0x3FB0]  }
0x2a: {  	p0 =	seq.s32 s5, $0x0;
	s5 =	sld [smem:$0x3FB1]  }
0x2b: {  	s6 =	sld [smem:$0x3FB2]  }
0x2c: {  	s7 =	sld [smem:$0x3FB3]  }
0x2d: {  	s3 =	simm.s32 $0x108;
	s8 =	sld [smem:$0x3FB4]  }
0x2e: {  	s3 =	simm.s32 @!p0 $0x1082;
	s9 =	sld [smem:$0x3FB5]  }
0x2f: {  	lr =	sadd.s32 s0, s3;
	s0 =	sld [smem:$0x3FAC]  }
0x30: {  	s3 =	sld [smem:$0x3FAF]  }
0x31: {  	[smem:$0x3FB8] =	sst s10  }
0x32: {  	s10 =	sld [smem:$0x3FB6];
	_ =	sdelay $0x3  }
0x33: {  	p0 =	seq.s32 s10, $0x1;
	s10 =	sld [smem:$0x3FB8];
	_ =	sdelay $0x3  }
0x34: {  	[smem:$0x3FB8] =	sst s10  }
0x35: {  	s10 =	sld [smem:$0x3FB7];
	_ =	sdelay $0x3  }
0x36: {  	p1 =	seq.s32 s10, $0x1;
	s10 =	sld [smem:$0x3FB8];
	_ =	sdelay $0x3  }
0x37: {  	[smem:$0x3FB8] =	sst s10  }
0x38: {  	s10 =	sld [smem:$0x3FB9]  }
0x39: {  	_ = 	snop;
	(pc) =	sbr.ind lr, $3  }
0x3a: {  	_ = 	snop  }
0x3b: {  	_ = 	snop  }
0x3c: {  	p2 =	seq.s32 s10, $0x1;
	s10 =	sld [smem:$0x3FB8]  }
0x3d: {  	_ =	shalt  }
0x3e: {  	_ =	shalt  }
0x3f: {  	_ =	shalt  }
0x40: {  	_ =	shalt  }
0x41: {  	_ =	shalt  }
0x42: {  	_ =	shalt  }
0x43: {  	_ =	shalt  }
0x44: {  	_ =	shalt  }
0x45: {  	_ =	shalt  }
0x46: {  	_ =	shalt  }
0x47: {  	_ =	shalt  }
0x48: {  	_ =	shalt  }
0x49: {  	_ =	shalt  }
0x4a: {  	_ =	shalt  }
0x4b: {  	_ =	shalt  }
0x4c: {  	_ =	shalt  }
0x4d: {  	_ =	shalt  }
0x4e: {  	_ =	shalt  }
0x4f: {  	_ =	shalt  }
0x50: {  	_ =	shalt  }
0x51: {  	_ =	shalt  }
0x52: {  	_ =	shalt  }
0x53: {  	_ =	shalt  }
0x54: {  	_ =	shalt  }
0x55: {  	_ =	shalt  }
0x56: {  	_ =	shalt  }
0x57: {  	_ =	shalt  }
0x58: {  	_ =	shalt  }
0x59: {  	_ =	shalt  }
0x5a: {  	_ =	shalt  }
0x5b: {  	_ =	shalt  }
0x5c: {  	_ =	shalt  }
0x5d: {  	_ =	shalt  }
0x5e: {  	_ =	shalt  }
0x5f: {  	_ =	shalt  }
0x60: {  	_ =	shalt  }
0x61: {  	_ =	shalt  }
0x62: {  	_ =	shalt  }
0x63: {  	_ =	shalt  }
0x64: {  	_ =	shalt  }
0x65: {  	_ =	shalt  }
0x66: {  	_ =	shalt  }
0x67: {  	_ =	shalt  }
0x68: {  	_ =	shalt  }
0x69: {  	_ =	shalt  }
0x6a: {  	_ =	shalt  }
0x6b: {  	_ =	shalt  }
0x6c: {  	_ =	shalt  }
0x6d: {  	_ =	shalt  }
0x6e: {  	_ =	shalt  }
0x6f: {  	_ =	shalt  }
0x70: {  	_ =	shalt  }
0x71: {  	_ =	shalt  }
0x72: {  	_ =	shalt  }
0x73: {  	_ =	shalt  }
0x74: {  	_ =	shalt  }
0x75: {  	_ =	shalt  }
0x76: {  	_ =	shalt  }
0x77: {  	_ =	shalt  }
0x78: {  	_ =	shalt  }
0x79: {  	_ =	shalt  }
0x7a: {  	_ =	shalt  }
0x7b: {  	_ =	shalt  }
0x7c: {  	_ =	shalt  }
0x7d: {  	_ =	shalt  }
0x7e: {  	_ =	shalt  }
0x7f: {  	_ =	shalt  }
0x80: {  	_ =	shalt  }
0x81: {  	_ =	shalt  }
0x82: {  	_ =	shalt  }
0x83: {  	_ =	shalt  }
0x84: {  	_ =	shalt  }
0x85: {  	_ =	shalt  }
0x86: {  	_ =	shalt  }
0x87: {  	_ =	shalt  }
.Lfunc_end0:
.L_simem_size_0:
called_computation_lowered:
.L_overlay_start_0:
0x88: {  	s2 =	sld [smem:$0x3FD9]  }
0x89: {  	s3 =	sld [smem:$0x3FFE];
	_ =	sdelay $0x1  }
0x8a: {  	s1 =	srdreg.scid  }
0x8b: {  	s0 =	sand.u32 $0x1, s1  }
0x8c: {  	s17 =	sshll.u32 s0, $0xA;
	s2 =	sadd.s32 s3, s2  }
0x8d: {  	s2 =	sadd.s32 s2, s17  }
0x8e: {  	[smem:$0x3FC4] =	sst s2  }
0x8f: {  	_ = 	snop  }
0x90: {  	s2 =	sld [smem:$0x3FC9]  }
0x91: {  	s18 =	sld [smem:$0x3FD0];
	(tm) =	ssettm $0x1  }
0x92: {  	s4 =	sld [smem:$0x3FFB];
	_ =	sdelay $0x3  }
0x93: {  	_ =	strace s4  }
0x94: {  	s4 =	sld [smem:$0x3FFC];
	_ =	sdelay $0x3  }
0x95: {  	_ =	strace s4  }
0x96: {  	s4 =	sld [smem:$0x3FFD];
	_ =	sdelay $0x3  }
0x97: {  	_ =	strace s4  }
0x98: {  	_ =	strace $0x8FFFFFFF  }
0x99: {  	s19 =	sld [smem:$0x3FDB];
	_ =	sdelay $0x1  }
0x9a: {  	s5 =	simm.s32 $_scs_section_size  }
0x9b: {  	s6 =	simm.s32 $_size__tile_overlayer_lowered;
	s7 =	simm.s32 $_tile_overlayer_lowered  }
0x9c: {  	s22 =	simm.s32 $0x1BFF;
	s21 =	sshll.u32 s7, $0x1;
	s4 =	sadd.s32 s5, s19  }
0x9d: {  	s8 =	simm.s32 $0x0;
	s20 =	sshll.u32 s6, $0x1;
	s6 =	sadd.s32 s21, s4  }
0x9e: {  	[timem:s8], [sflag:s22] =	dma.local [hbm:s6], s20  }
0x9f: {  	_ =	swait.ge [sflag:s22], s20  }
0xa0: {  	s5 =	ssub.s32 $0x0, s20;
	[sflag:s22] =	ssyncset.done $0x0  }
0xa1: {  	[sflag:s22] =	ssyncadd.s32 s5;
	_ =	sdelay $0x1  }
0xa2: {  	s23 =	simm.s32 $0x1B8B  }
0xa3: {  	_ =	swait.ge [sflag:s23], $0x1  }
0xa4: {  	[sflag:s23] =	ssyncset.done $0x0  }
0xa5: {  	s25 =	simm.s32 $0x1B8E;
	s24 =	sld [smem:$0x3FFE];
	[sflag:s23] =	ssyncadd.s32 $0xFFFFFFFF  }
0xa6: {  	s26 =	simm.s32 $execute0_lowered;
	[smem:$0x3FD2] =	sst s25  }
0xa7: {  	s6 =	sshll.u32 s26, $0x1;
	_ =	strace $0x80000046;
	[dreg:$0x1] =	wrdreg $0xFFFFFFFF  }
0xa8: {  	s28 =	simm.s32 $_size_execute0_lowered;
	s4 =	sadd.s32 s4, s6;
	[dreg:$0x0] =	wrdreg $0x0  }
0xa9: {  	s6 =	sshll.u32 s28, $0x1;
	[dreg:$0x2] =	wrdreg s4  }
0xaa: {  	[dreg:$0x3] =	wrdreg s6  }
0xab: {  	[dreg:$0x4] =	wrdreg $0xC0  }
0xac: {  	_ =	task [dreg:s8], $0x5FFFF  }
0xad: {  	[dreg:$0x1] =	wrdreg $0xFFFFFFFF  }
0xae: {  	[dreg:$0x0] =	wrdreg $0x60  }
0xaf: {  	[dreg:$0x2] =	wrdreg s2  }
0xb0: {  	[dreg:$0x3] =	wrdreg s24  }
0xb1: {  	[dreg:$0x4] =	wrdreg s18  }
0xb2: {  	[dreg:$0x5] =	wrdreg $0x9  }
0xb3: {  	_ =	task.clear_ibuf [dreg:s8], $0x6FFFF;
	_ =	strace $0x90000046  }
0xb4: {  	s29 =	simm.s32 $0x9;
	_ =	strace $0x80000048  }
0xb5: {  	_ =	swait.ge [sflag:s29], $0x1  }
0xb6: {  	[sflag:s29] =	ssyncadd.s32 $0xFFFFFFFF  }
0xb7: {  	_ =	strace $0x90000048  }
0xb8: {  	_ =	sfence  }
0xb9: {  	s30 =	sld [smem:$0x0];
	_ =	sdelay $0x2  }
0xba: {  	s31 =	sshll.u32 s1, $0xD;
	s1 =	sshrl.u32 s1, $0x2  }
0xbb: {  	s3 =	sand.u32 $0x4000, s31;
	s1 =	sadd.s32 s1, s30  }
0xbc: {  	s0 =	sor.u32 s3, s0;
	s1 =	sshll.u32 s1, $0x11  }
0xbd: {  	s0 =	sor.u32 s1, s0  }
0xbe: {  	s0 =	sadd.s32 $0x8F2B, s0  }
0xbf: {  	[sflag:s0] =	ssyncadd.remote.s32 $0x1  }
0xc0: {  	_ =	sfence.sel $0xFFFF  }
0xc1: {  	[dreg:$0x0] =	wrdreg $0xFFFFFFFF;
	(pc) =	sbr.abs _section_cstart, $3  }
0xc2: {  	[dreg:$0x1] =	wrdreg $0xFFFFFFFF  }
0xc3: {  	_ =	task.clear_ibuf [dreg:s8], $0x2FFFF;
	_ =	strace $0x9FFFFFFF  }
0xc4: {  	(tm) =	ssettm $0x7FFFFFFF  }
0xc5: {  	_ =	shalt  }
tec
execute0_lowered:
.L_overlay_start_1:
0x0: {  	(tag) =	ssettag $0x1  }
0x1: {  	s5 =	rddreg [dreg:$0x0]  }
0x2: {  	s4 =	rddreg [dreg:$0x1]  }
0x3: {  	s7 =	rddreg [dreg:$0x2]  }
0x4: {  	s1 =	srdreg.scid;
	s0 =	rddreg [dreg:$0x3]  }
0x5: {  	s2 =	simm.s32 $0x0;
	s13 =	simm.s32 $0x3900;
	s14 =	simm.s32 $0x5900  }
0x6: {  	s15 =	simm.s32 $0x0;
	s6 =	sand.u32 $0x1, s1;
	[smem:$0x7FF] =	sst s2  }
0x7: {  	s1 =	stileid.u32;
	s3 =	sshll.u32 s6, $0x4;
	_ =	strace $0x80000047  }
0x8: {  	s30 =	ssub.s32 $0x2, s6;
	s8 =	sor.u32 s1, s3;
	s3 =	sadd.s32 $0xF43000, s4  }
0x9: {  	s6 =	sshrl.u32 s30, $0x1;
	s9 =	sshll.u32 s8, $0xA;
	s10 =	smul.u32 $0x1880, s8  }
0xa: {  	s11 =	sshll.u32 s8, $0x4;
	s12 =	ssub.s32 s30, s6;
	s8 =	sshll.u32 s8, $0x3  }
0xb: {  	s9 =	sadd.s32 s9, s4;
	s4 =	sadd.s32 s5, s11;
	s7 =	sadd.s32 s7, s8  }
0xc: {  	s8 =	smax.u32 s12, $0x1;
	s11 =	simm.s32 $0x1;
	s10 =	sshrl.u32 s10, $0x3  }
0xd: {  	s12 =	simm.s32 $0x2080;
	s31 =	sadd.s32 s5, s10;
	s5 =	sadd.s32 $0xC00, s9  }
0xe: {  	s9 =	simm.s32 $0x2;
	s10 =	simm.s32 $0x80;
	s6 =	sadd.s32 $0x200, s31  }
.LBB2_1:
0xf: {  	[tilespmem:s2], [sflag:$0x2] =	stream.linear.gather [hbm4b:s4+s2], $0x80, $0x38;
	[tilespmem:$0x5940] =	vst v63  }
0x10: {  	_ =	swait.ge [sflag:s9], $0x80  }
0x11: {  	[sflag:s9] =	ssyncset.done $0x0  }
0x12: {  	[sflag:s9] =	ssyncadd.s32 $0xFFFFFF80  }
0x13: {  	[tilespmem:s10], [sflag:$0x1] =	stream.indirect.gather [hbm4b:s3+s10], $0x40, s2, s10, $0xb8;
	[tilespmem:$0x5940] =	vst v63  }
0x14: {  	_ =	swait.ge [sflag:s11], $0x2000  }
0x15: {  	[sflag:s11] =	ssyncset.done $0x0  }
0x16: {  	[sflag:s11] =	ssyncadd.s32 $0xFFFFE000  }
0x17: {  	[hbm4b:s5+s2] =	stream.linear.scatter [tilespmem:s10], [sflag:$0x2], $0x2000, $0x38;
	[tilespmem:$0x5940] =	vst v63  }
0x18: {  	_ =	swait.ge [sflag:s9], $0x2000  }
0x19: {  	[sflag:s9] =	ssyncset.done $0x0  }
0x1a: {  	[sflag:s9] =	ssyncadd.s32 $0xFFFFE000  }
0x1b: {  	[tilespmem:s12], [sflag:$0x2] =	stream.linear.gather [hbm4b:s6+s2], $0x1880, $0x38;
	[tilespmem:$0x5940] =	vst v63  }
0x1c: {  	_ =	swait.ge [sflag:s9], $0x1880  }
0x1d: {  	v8 =	vimm.f32 $0.0e+00;
	[sflag:s9] =	ssyncset.done $0x0  }
0x1e: {  	v9 =	vimm.f32 $0.0e+00;
	v10 =	vimm.f32 $0.0e+00;
	v11 =	vimm.f32 $0.0e+00;
	s16 =	simm.s32 $0x0;
	[sflag:s9] =	ssyncadd.s32 $0xFFFFE780  }
.LBB2_2:
0x1f: {  	s17 =	sshll.u32 s16, $0x7  }
0x20: {  	s17 =	sand.u32 $0x3FFFFF80, s17  }
0x21: {  	s17 =	sadd.s32 $0x2080, s17  }
0x22: {  	[tilespmem:s13], [sflag:$0x1] =	stream.indirect.gather [hbm4b:s3+s10], $0x40, s17, s10, $0xb8;
	[tilespmem:$0x5940] =	vst v63  }
0x23: {  	_ =	swait.ge [sflag:s11], $0x2000  }
0x24: {  	[sflag:s11] =	ssyncset.done $0x0  }
0x25: {  	s17 =	simm.s32 $0x0;
	[sflag:s11] =	ssyncadd.s32 $0xFFFFE000  }
0x26: {  	v0 =	vld [tilespmem:s17+$0x3AC0]  }
0x27: {  	v1 =	vld [tilespmem:s17+$0x3AD0]  }
0x28: {  	v2 =	vld [tilespmem:s17+$0x3A80]  }
0x29: {  	v3 =	vld [tilespmem:s17+$0x3A90]  }
0x2a: {  	v4 =	vld [tilespmem:s17+$0x3A40]  }
0x2b: {  	v5 =	vld [tilespmem:s17+$0x3A50]  }
0x2c: {  	v6 =	vld [tilespmem:s17+$0x3A00]  }
0x2d: {  	v7 =	vld [tilespmem:s17+$0x3A10]  }
0x2e: {  	v12 =	vld [tilespmem:s17+$0x39C0]  }
0x2f: {  	v13 =	vld [tilespmem:s17+$0x39D0]  }
0x30: {  	v14 =	vld [tilespmem:s17+$0x3980]  }
0x31: {  	v15 =	vld [tilespmem:s17+$0x3990]  }
0x32: {  	v16 =	vld [tilespmem:s17+$0x3940]  }
0x33: {  	v17 =	vld [tilespmem:s17+$0x3950]  }
0x34: {  	v19 =	vld [tilespmem:s17+$0x3900]  }
0x35: {  	v20 =	vld [tilespmem:s17+$0x3910]  }
0x36: {  	s18 =	simm.s32 $0x800;
	v18 =	vld [tilespmem:s17+$0x3920]  }
.LBB2_3:
0x37: {  	p0 =	sne.s32 s18, $0x7800;
	v21 =	vld [tilespmem:s17+$0x3930]  }
0x38: {  	v22 =	vld [tilespmem:s17+$0x3960]  }
0x39: {  	v23 =	vld [tilespmem:s17+$0x3970]  }
0x3a: {  	v24 =	vld [tilespmem:s17+$0x39A0]  }
0x3b: {  	v11 =	vadd.f32 v19, v11;
	v10 =	vadd.f32 v20, v10;
	v19 =	vld [tilespmem:s17+$0x39B0]  }
0x3c: {  	v9 =	vadd.f32 v18, v9;
	v8 =	vadd.f32 v21, v8;
	v18 =	vld [tilespmem:s17+$0x39E0]  }
0x3d: {  	v11 =	vadd.f32 v16, v11;
	v10 =	vadd.f32 v17, v10;
	v16 =	vld [tilespmem:s17+$0x39F0]  }
0x3e: {  	v9 =	vadd.f32 v22, v9;
	v8 =	vadd.f32 v23, v8;
	v17 =	vld [tilespmem:s17+$0x3A20]  }
0x3f: {  	v11 =	vadd.f32 v14, v11;
	v10 =	vadd.f32 v15, v10;
	v14 =	vld [tilespmem:s17+$0x3A30]  }
0x40: {  	v9 =	vadd.f32 v24, v9;
	v8 =	vadd.f32 v19, v8;
	v15 =	vld [tilespmem:s17+$0x3A60]  }
0x41: {  	v11 =	vadd.f32 v12, v11;
	v10 =	vadd.f32 v13, v10;
	v12 =	vld [tilespmem:s17+$0x3A70]  }
0x42: {  	v9 =	vadd.f32 v18, v9;
	v8 =	vadd.f32 v16, v8;
	v13 =	vld [tilespmem:s17+$0x3AA0]  }
0x43: {  	v6 =	vadd.f32 v6, v11;
	v7 =	vadd.f32 v7, v10;
	v10 =	vld [tilespmem:s17+$0x3AB0]  }
0x44: {  	v9 =	vadd.f32 v17, v9;
	v8 =	vadd.f32 v14, v8;
	v14 =	vld [tilespmem:s17+$0x3AE0]  }
0x45: {  	v4 =	vadd.f32 v4, v6;
	v5 =	vadd.f32 v5, v7;
	v6 =	vld [tilespmem:s17+$0x3AF0];
	s17 =	sshra.s32 s18, $0x2  }
0x46: {  	v9 =	vadd.f32 v15, v9;
	v7 =	vld [tilespmem:s17+$0x3AC0];
	v8 =	vadd.f32 v12, v8  }
0x47: {  	v4 =	vadd.f32 v2, v4;
	v5 =	vadd.f32 v3, v5;
	v12 =	vld [tilespmem:s17+$0x3AD0]  }
0x48: {  	v9 =	vadd.f32 v13, v9;
	v2 =	vld [tilespmem:s17+$0x3A80];
	v8 =	vadd.f32 v10, v8  }
0x49: {  	v11 =	vadd.f32 v0, v4;
	v10 =	vadd.f32 v1, v5;
	v3 =	vld [tilespmem:s17+$0x3A90]  }
0x4a: {  	v9 =	vadd.f32 v14, v9;
	v4 =	vld [tilespmem:s17+$0x3A40];
	v8 =	vadd.f32 v6, v8  }
0x4b: {  	v5 =	vld [tilespmem:s17+$0x3A50];
	v0 =	vmov v7  }
0x4c: {  	v6 =	vld [tilespmem:s17+$0x3A00];
	v1 =	vmov v12  }
0x4d: {  	v7 =	vld [tilespmem:s17+$0x3A10]  }
0x4e: {  	v12 =	vld [tilespmem:s17+$0x39C0]  }
0x4f: {  	v13 =	vld [tilespmem:s17+$0x39D0]  }
0x50: {  	v14 =	vld [tilespmem:s17+$0x3980]  }
0x51: {  	v15 =	vld [tilespmem:s17+$0x3990]  }
.Ltmp0:
0x52: {  	v16 =	vld [tilespmem:s17+$0x3940];
	(pc) =	sbr.rel @p0 .LBB2_3-.Ltmp0, $4  }
0x53: {  	v17 =	vld [tilespmem:s17+$0x3950]  }
0x54: {  	v19 =	vld [tilespmem:s17+$0x3900]  }
0x55: {  	v20 =	vld [tilespmem:s17+$0x3910]  }
0x56: {  	s18 =	sadd.s32 $0x800, s18;
	v18 =	vld [tilespmem:s17+$0x3920]  }
0x57: {  	v21 =	vld [tilespmem:s17+$0x3930]  }
0x58: {  	v22 =	vld [tilespmem:s17+$0x3960]  }
0x59: {  	v23 =	vld [tilespmem:s17+$0x3970]  }
0x5a: {  	v24 =	vld [tilespmem:s17+$0x39A0]  }
0x5b: {  	v53 =	vld [tilespmem:s17+$0x39B0];
	v11 =	vadd.f32 v19, v11;
	v10 =	vadd.f32 v20, v10  }
0x5c: {  	v54 =	vld [tilespmem:s17+$0x39E0];
	v9 =	vadd.f32 v18, v9;
	v8 =	vadd.f32 v21, v8  }
0x5d: {  	v55 =	vld [tilespmem:s17+$0x39F0];
	v11 =	vadd.f32 v16, v11;
	v10 =	vadd.f32 v17, v10  }
0x5e: {  	v56 =	vld [tilespmem:s17+$0x3A20];
	v9 =	vadd.f32 v22, v9;
	v8 =	vadd.f32 v23, v8  }
0x5f: {  	v57 =	vld [tilespmem:s17+$0x3A30];
	v11 =	vadd.f32 v14, v11;
	v10 =	vadd.f32 v15, v10  }
0x60: {  	v58 =	vld [tilespmem:s17+$0x3A60];
	v9 =	vadd.f32 v24, v9;
	v8 =	vadd.f32 v53, v8  }
0x61: {  	v59 =	vld [tilespmem:s17+$0x3A70];
	v11 =	vadd.f32 v12, v11;
	v10 =	vadd.f32 v13, v10  }
0x62: {  	v60 =	vld [tilespmem:s17+$0x3AA0];
	v9 =	vadd.f32 v54, v9;
	v8 =	vadd.f32 v55, v8  }
0x63: {  	v6 =	vadd.f32 v6, v11;
	v7 =	vadd.f32 v7, v10;
	v10 =	vld [tilespmem:s17+$0x3AB0]  }
0x64: {  	v61 =	vld [tilespmem:s17+$0x3AE0];
	s16 =	sadd.s32 $0x1, s16;
	v9 =	vadd.f32 v56, v9;
	v8 =	vadd.f32 v57, v8  }
0x65: {  	p0 =	sne.s32 s16, $0x31;
	v4 =	vadd.f32 v4, v6;
	v6 =	vld [tilespmem:s17+$0x3AF0];
	v5 =	vadd.f32 v5, v7  }
.Ltmp1:
0x66: {  	v7 =	vadd.f32 v58, v9;
	v8 =	vadd.f32 v59, v8;
	(pc) =	sbr.rel @p0 .LBB2_2-.Ltmp1, $4  }
0x67: {  	v2 =	vadd.f32 v2, v4;
	v3 =	vadd.f32 v3, v5  }
0x68: {  	v62 =	vadd.f32 v60, v7;
	v63 =	vadd.f32 v10, v8  }
0x69: {  	v11 =	vadd.f32 v0, v2;
	v10 =	vadd.f32 v1, v3  }
0x6a: {  	v9 =	vadd.f32 v61, v62;
	v8 =	vadd.f32 v6, v63  }
0x6b: {  	[tilespmem:$0x5900] =	vst v11  }
0x6c: {  	[tilespmem:$0x5910] =	vst v10;
	s15 =	sadd.s32 $0x1, s15  }
0x6d: {  	[tilespmem:$0x5920] =	vst v9;
	p0 =	sne.s32 s15, s8  }
.Ltmp2:
0x6e: {  	[tilespmem:$0x5930] =	vst v8;
	(pc) =	sbr.rel @p0 .LBB2_1-.Ltmp2, $4  }
0x6f: {  	[hbm4b:s7+s2] =	stream.linear.scatter [tilespmem:s14], [sflag:$0x2], $0x40, $0x38;
	[tilespmem:$0x5940] =	vst v63  }
0x70: {  	_ =	swait.ge [sflag:s9], $0x40  }
0x71: {  	[sflag:s9] =	ssyncset.done $0x0  }
0x72: {  	[sflag:s9] =	ssyncadd.s32 $0xFFFFFFC0  }
0x73: {  	_ =	sfence.sel $0x180000  }
0x74: {  	[bflag:$0x0] =	sbarrier.arrive $0xFFFF  }
0x75: {  	p0 =	sne.s32 s1, $0x0;
	_ =	strace $0x90000047  }
0x76: {  	s0 =	sadd.s32 @!p0 $0x100000, s0;
	[bflag:$0x2] =	sbarrier.arrive $0xFFFF  }
0x77: {  	[sflag:s0] =	ssyncadd.tile.s32 @!p0 $0x1;
	_ =	shalt  }
.Lfunc_end2:
_tile_overlayer_lowered:
.L_overlay_start_2:
0x78: {  	(tag) =	ssettag $0x2  }
0x79: {  	s0 =	rddreg [dreg:$0x0];
	s2 =	stileid.u32  }
0x7a: {  	s1 =	rddreg [dreg:$0x1];
	p0 =	sne.s32 s2, $0x0  }
0x7b: {  	s3 =	rddreg [dreg:$0x2];
	[bflag:$0x3] =	sbarrier.arrive $0xFFFF;
	s2 =	simm.s32 @!p0 $0x1C02  }
0x7c: {  	[timem:s3], [sflag:s2] =	dma.local @!p0 [hbm:s0], s1  }
0x7d: {  	s0 =	simm.s32 @!p0 $0x2  }
0x7e: {  	_ =	swait.ge @!p0 [sflag:s0], s1  }
0x7f: {  	s1 =	ssub.s32 @!p0 $0x0, s1;
	[sflag:s0] =	ssyncset.done @!p0 $0x0  }
0x80: {  	[sflag:s0] =	ssyncadd.s32 @!p0 s1  }
0x81: {  	[bflag:$0x3] =	sbarrier.arrive $0xFFFF  }
0x82: {  	_ =	shalt  }

</sc_bundles>
